<compile_context>
chip_gen: v7x
topology: tpu7x:2x2x1
jax: 0.10.2.dev20260603
libtpu: 0.0.44.dev20260713+nightly
codegen_flags: <defaults>
</compile_context>

<pallas_src>
import functools

import jax
import jax.numpy as jnp
from jax import lax
from jax.experimental import pallas as pl
from jax.experimental.pallas import tpu as pltpu
from jax.experimental.pallas import tpu_sc as plsc

_B = 8
_L = 128
_NB = _B * _L

_NC = 1
_NS = 16
_NW = _NC * _NS
_PER_W = _NB // _NW

_W_PER_ROW = _NW // _B


@functools.cache
def _make_sc_gather():
    @functools.partial(
        pl.kernel,
        mesh=plsc.VectorSubcoreMesh(core_axis_name="c", subcore_axis_name="s",
                                    num_cores=1),
        out_type=(
            jax.ShapeDtypeStruct((_B, _L), jnp.float32),
            jax.ShapeDtypeStruct((_B, _L), jnp.float32),
        ),
        scratch_types=[
            pltpu.VMEM((_PER_W,), jnp.int32),
            pltpu.VMEM((_PER_W,), jnp.float32),
            pltpu.VMEM((_PER_W,), jnp.float32),
            pltpu.SemaphoreType.DMA,
            pltpu.SemaphoreType.DMA,
            pltpu.SemaphoreType.DMA,
            pltpu.SemaphoreType.DMA,
        ],
    )
    def _sc_gather(x_hbm, y_hbm, idx_hbm, xa_hbm, ya_hbm,
                   idx_v, xg_v, yg_v, sem_x, sem_y, sem_ox, sem_oy):
        wid = lax.axis_index("s") * _NC + lax.axis_index("c")
        row = wid // _W_PER_ROW
        col = (wid % _W_PER_ROW) * _PER_W
        pltpu.sync_copy(idx_hbm.at[row, pl.ds(col, _PER_W)], idx_v)
        cx = pltpu.async_copy(x_hbm.at[idx_v], xg_v, sem_x)
        cy = pltpu.async_copy(y_hbm.at[idx_v], yg_v, sem_y)
        cx.wait()
        ox = pltpu.async_copy(xg_v, xa_hbm.at[row, pl.ds(col, _PER_W)], sem_ox)
        cy.wait()
        oy = pltpu.async_copy(yg_v, ya_hbm.at[row, pl.ds(col, _PER_W)], sem_oy)
        ox.wait()
        oy.wait()

    return _sc_gather


def _loss_body(xa_ref, ya_ref, out_ref):
    xa = xa_ref[...]
    ya = ya_ref[...]
    fL = jnp.float32(_L)
    s = jnp.sum(xa * ya, axis=1, keepdims=True)
    base = jnp.sum(jnp.maximum(xa - s, 0.0), axis=1, keepdims=True)

    xm = xa[:, :, None]
    xn = xa[:, None, :]
    m_ids = lax.broadcasted_iota(jnp.int32, (_B, _L, _L), 1)
    n_ids = lax.broadcasted_iota(jnp.int32, (_B, _L, _L), 2)
    prec = (xn < xm) | ((xn == xm) & (n_ids < m_ids))
    rank = jnp.sum(prec.astype(jnp.float32), axis=2)
    t = jnp.sum(jnp.maximum(xn - xm, 0.0), axis=2)
    cv = jnp.where(rank < 15.0, jnp.trunc(base), jnp.trunc(t))
    rank_n = rank[:, None, :]
    denom = (fL - 1.0 - rank_n) * (fL - rank_n)
    w = jnp.where(prec, jnp.exp(cv[:, :, None] - t[:, None, :]) / denom, 0.0)
    inner = jnp.sum(w, axis=2)
    contrib = jnp.log(jnp.exp(cv - base) / (fL - rank) - inner) - cv
    loss = jnp.sum(jnp.where(ya != 0.0, contrib, 0.0))
    out_ref[0, 0] = -loss / jnp.float32(_B)


def kernel(x, y, temp_assortment_list):
    idx = temp_assortment_list.astype(jnp.int32)
    xa, ya = _make_sc_gather()(x, y, idx)
    out = pl.pallas_call(
        _loss_body,
        out_shape=jax.ShapeDtypeStruct((1, 1), jnp.float32),
        out_specs=pl.BlockSpec(memory_space=pltpu.SMEM),
    )(xa, ya)
    return out[0, 0]

# --- scband reference (transcript-rebuilt; emitter-appended) ---
"""Pipeline reference for scband-exp-loss-37168646980392 (READ-ONLY COPY).

The authoritative reference and input builder live on the scoring server;
editing this copy changes nothing except your own understanding.
"""

import jax, jax.numpy as jnp
import numpy as np

N_ITEMS = 100000
B = 8
L = 128

def setup_inputs(seed: int = 0):
    key = jax.random.key(seed)
    k1, k2, k3 = jax.random.split(key, 3)
    x = jax.random.uniform(k1, (N_ITEMS,), dtype=jnp.float32)
    y = jax.random.uniform(k2, (N_ITEMS,), dtype=jnp.float32)
    temp_assortment_list = jax.random.randint(k3, (B, L), 0, N_ITEMS)
    return {"x": x, "y": y, "temp_assortment_list": temp_assortment_list}

def reference(x, y, temp_assortment_list):
    a_all = temp_assortment_list
    batch_size = a_all.shape[0]
    loss = jnp.float32(0.0)
    for i in range(batch_size):
        a = a_all[i]
        choice_size = int(a.shape[0])
        xa = x[a]
        ya = y[a]
        index_sort = jnp.argsort(xa)
        s = jnp.sum(xa * ya)
        base = jnp.sum(jnp.maximum(xa - s, 0.0))
        xs = xa[index_sort]
        ys = ya[index_sort]
        # t[k] = sum(max(x[a] - x[a[index_sort[k]]], 0)) for every k (same math, vectorized)
        t = jnp.sum(jnp.maximum(xa[None, :] - xs[:, None], 0.0), axis=1)
        ks = np.arange(choice_size)
        denom = ((choice_size - ks - 1) * (choice_size - ks)).astype(np.float32)
        for j in range(choice_size):
            if j == 0:
                cv = jnp.trunc(base)
                contrib = jnp.log(jnp.exp(-base + cv) / choice_size) - cv
            else:
                if j < 15:
                    cv = jnp.trunc(base)
                else:
                    cv = jnp.trunc(t[j])
                inner = jnp.sum(jnp.exp(-t[:j] + cv) / denom[:j])
                contrib = jnp.log(jnp.exp(-base + cv) / (choice_size - j) - inner) - cv
            loss = loss + jnp.where(ys[j] != 0, contrib, jnp.float32(0.0))
    return -loss / batch_size

if __name__ == "__main__":
    import jax
    _d = setup_inputs()
    print(jax.jit(kernel)(*tuple(_d.values())))

</pallas_src>

<mosaic_0001>
#map = affine_map<(d0, d1) -> (0)>
#map1 = affine_map<(d0, d1) -> (0, 0)>
module attributes {stable_mosaic.version = 14 : i64} {
  func.func @_sc_gather(%arg0: i32, %arg1: i32, %arg2: memref<100000xf32, #tpu.memory_space<hbm>>, %arg3: memref<100000xf32, #tpu.memory_space<hbm>>, %arg4: memref<8x128xi32, #tpu.memory_space<hbm>>, %arg5: memref<8x128xf32, #tpu.memory_space<hbm>>, %arg6: memref<8x128xf32, #tpu.memory_space<hbm>>, %arg7: memref<64xi32, #tpu.memory_space<vmem>>, %arg8: memref<64xf32, #tpu.memory_space<vmem>>, %arg9: memref<64xf32, #tpu.memory_space<vmem>>, %arg10: memref<!tpu.dma_semaphore, #tpu.memory_space<semaphore_mem>>, %arg11: memref<!tpu.dma_semaphore, #tpu.memory_space<semaphore_mem>>, %arg12: memref<!tpu.dma_semaphore, #tpu.memory_space<semaphore_mem>>, %arg13: memref<!tpu.dma_semaphore, #tpu.memory_space<semaphore_mem>>) attributes {dimension_semantics = [#tpu.dimension_semantics<core_parallel>, #tpu.dimension_semantics<subcore_parallel>], iteration_bounds = array<i64: 1, 16>, scalar_prefetch = 0 : i64, scratch_operands = 7 : i64, tpu.core_type = #tpu.core_type<sc_vector_subcore>, window_params = [{transform_indices = #map}, {transform_indices = #map}, {transform_indices = #map1}, {transform_indices = #map1}, {transform_indices = #map1}]} {
    %mul3A = arith.constant 1 : i32
    %mul3A_0 = arith.muli %arg1, %mul3A : i32
    %add3A = arith.addi %mul3A_0, %arg0 : i32
    %jit3A = arith.constant 2 : i32
    %div3A = arith.divsi %add3A, %jit3A : i32
    %sign3A = arith.constant 0 : i32
    %sign3A_1 = arith.cmpi sgt, %add3A, %sign3A : i32
    %sign3A_2 = arith.extui %sign3A_1 : i1 to i32
    %sign3A_3 = arith.constant 0 : i32
    %sign3A_4 = arith.cmpi slt, %add3A, %sign3A_3 : i32
    %sign3A_5 = arith.extui %sign3A_4 : i1 to i32
    %sign3A_6 = arith.subi %sign3A_2, %sign3A_5 : i32
    %sign3A_7 = arith.constant 0 : i32
    %sign3A_8 = arith.cmpi sgt, %jit3A, %sign3A_7 : i32
    %sign3A_9 = arith.extui %sign3A_8 : i1 to i32
    %sign3A_10 = arith.constant 0 : i32
    %sign3A_11 = arith.cmpi slt, %jit3A, %sign3A_10 : i32
    %sign3A_12 = arith.extui %sign3A_11 : i1 to i32
    %sign3A_13 = arith.subi %sign3A_9, %sign3A_12 : i32
    %ne3A = arith.cmpi ne, %sign3A_6, %sign3A_13 : i32
    %rem3A = arith.remsi %add3A, %jit3A : i32
    %ne3A_14 = arith.constant 0 : i32
    %ne3A_15 = arith.cmpi ne, %rem3A, %ne3A_14 : i32
    %and3A = arith.andi %ne3A, %ne3A_15 : i1
    %sub3A = arith.constant 1 : i32
    %sub3A_16 = arith.subi %div3A, %sub3A : i32
    %select_n3A = arith.select %and3A, %sub3A_16, %div3A : i32
    %jit3A_17 = arith.constant 2 : i32
    %eq3A = arith.constant 0 : i32
    %eq3A_18 = arith.cmpi eq, %jit3A_17, %eq3A : i32
    %jit3A_19 = arith.constant 1 : i32
    %select_n3A_20 = arith.select %eq3A_18, %jit3A_19, %jit3A_17 : i32
    %rem3A_21 = arith.remsi %add3A, %select_n3A_20 : i32
    %ne3A_22 = arith.constant 0 : i32
    %ne3A_23 = arith.cmpi ne, %rem3A_21, %ne3A_22 : i32
    %lt3A = arith.constant 0 : i32
    %lt3A_24 = arith.cmpi slt, %rem3A_21, %lt3A : i32
    %lt3A_25 = arith.constant 0 : i32
    %lt3A_26 = arith.cmpi slt, %select_n3A_20, %lt3A_25 : i32
    %ne3A_27 = arith.xori %lt3A_24, %lt3A_26 : i1
    %and3A_28 = arith.andi %ne3A_27, %ne3A_23 : i1
    %add3A_29 = arith.addi %rem3A_21, %select_n3A_20 : i32
    %select_n3A_30 = arith.select %and3A_28, %add3A_29, %rem3A_21 : i32
    %mul3A_31 = arith.constant 64 : i32
    %mul3A_32 = arith.muli %select_n3A_30, %mul3A_31 : i32
    "tpu.region"() ({
      %run_scoped3A = tpu.sem_alloc : memref<!tpu.dma_semaphore, #tpu.memory_space<semaphore_mem>>
      %dma_start3A_55 = tpu.memref_slice %arg4[%select_n3A, %mul3A_32] : memref<8x128xi32, #tpu.memory_space<hbm>> -> memref<1x64xi32, #tpu.memory_space<hbm>>
      %dma_start3A_56 = tpu.memref_squeeze %dma_start3A_55 : memref<1x64xi32, #tpu.memory_space<hbm>> -> memref<64xi32, #tpu.memory_space<hbm>>
      %dma_start3A_57 = tpu.memref_slice %arg4[%select_n3A, %mul3A_32] : memref<8x128xi32, #tpu.memory_space<hbm>> -> memref<1x64xi32, #tpu.memory_space<hbm>>
      %dma_start3A_58 = tpu.memref_squeeze %dma_start3A_57 : memref<1x64xi32, #tpu.memory_space<hbm>> -> memref<64xi32, #tpu.memory_space<hbm>>
      tpu.enqueue_dma source(%dma_start3A_58 : memref<64xi32, #tpu.memory_space<hbm>>) target(%arg7 : memref<64xi32, #tpu.memory_space<vmem>>) target_semaphore(%run_scoped3A : memref<!tpu.dma_semaphore, #tpu.memory_space<semaphore_mem>>)
      %dma_wait3A_59 = tpu.memref_slice %arg4[%select_n3A, %mul3A_32] : memref<8x128xi32, #tpu.memory_space<hbm>> -> memref<1x64xi32, #tpu.memory_space<hbm>>
      %dma_wait3A_60 = tpu.memref_squeeze %dma_wait3A_59 : memref<1x64xi32, #tpu.memory_space<hbm>> -> memref<64xi32, #tpu.memory_space<hbm>>
      %dma_wait3A_61 = tpu.memref_slice %arg4[%select_n3A, %mul3A_32] : memref<8x128xi32, #tpu.memory_space<hbm>> -> memref<1x64xi32, #tpu.memory_space<hbm>>
      %dma_wait3A_62 = tpu.memref_squeeze %dma_wait3A_61 : memref<1x64xi32, #tpu.memory_space<hbm>> -> memref<64xi32, #tpu.memory_space<hbm>>
      tpu.wait_dma2 semaphore(%run_scoped3A : memref<!tpu.dma_semaphore, #tpu.memory_space<semaphore_mem>>) src(%dma_wait3A_62 : memref<64xi32, #tpu.memory_space<hbm>>) dst(%arg7 : memref<64xi32, #tpu.memory_space<vmem>>)
      tpu.yield
    }) : () -> ()
    %dma_start3A = arith.constant 0 : i32
    %dma_start3A_33 = tpu.memref_slice %arg2[%dma_start3A] : memref<100000xf32, #tpu.memory_space<hbm>> -> memref<100000xf32, #tpu.memory_space<hbm>>
    tpu.enqueue_indirect_dma source(%dma_start3A_33 : memref<100000xf32, #tpu.memory_space<hbm>>) target(%arg8 : memref<64xf32, #tpu.memory_space<vmem>>) offsets(%arg7 : memref<64xi32, #tpu.memory_space<vmem>>) semaphore(%arg10 : memref<!tpu.dma_semaphore, #tpu.memory_space<semaphore_mem>>)
    %dma_start3A_34 = arith.constant 0 : i32
    %dma_start3A_35 = tpu.memref_slice %arg3[%dma_start3A_34] : memref<100000xf32, #tpu.memory_space<hbm>> -> memref<100000xf32, #tpu.memory_space<hbm>>
    tpu.enqueue_indirect_dma source(%dma_start3A_35 : memref<100000xf32, #tpu.memory_space<hbm>>) target(%arg9 : memref<64xf32, #tpu.memory_space<vmem>>) offsets(%arg7 : memref<64xi32, #tpu.memory_space<vmem>>) semaphore(%arg11 : memref<!tpu.dma_semaphore, #tpu.memory_space<semaphore_mem>>)
    %dma_wait3A = arith.constant 0 : i32
    %dma_wait3A_36 = tpu.memref_slice %arg2[%dma_wait3A] : memref<100000xf32, #tpu.memory_space<hbm>> -> memref<100000xf32, #tpu.memory_space<hbm>>
    tpu.wait_indirect_dma semaphore(%arg10 : memref<!tpu.dma_semaphore, #tpu.memory_space<semaphore_mem>>) src(%dma_wait3A_36 : memref<100000xf32, #tpu.memory_space<hbm>>) dst(%arg8 : memref<64xf32, #tpu.memory_space<vmem>>)
    %dma_start3A_37 = tpu.memref_slice %arg5[%select_n3A, %mul3A_32] : memref<8x128xf32, #tpu.memory_space<hbm>> -> memref<1x64xf32, #tpu.memory_space<hbm>>
    %dma_start3A_38 = tpu.memref_squeeze %dma_start3A_37 : memref<1x64xf32, #tpu.memory_space<hbm>> -> memref<64xf32, #tpu.memory_space<hbm>>
    %dma_start3A_39 = tpu.memref_slice %arg5[%select_n3A, %mul3A_32] : memref<8x128xf32, #tpu.memory_space<hbm>> -> memref<1x64xf32, #tpu.memory_space<hbm>>
    %dma_start3A_40 = tpu.memref_squeeze %dma_start3A_39 : memref<1x64xf32, #tpu.memory_space<hbm>> -> memref<64xf32, #tpu.memory_space<hbm>>
    tpu.enqueue_dma source(%arg8 : memref<64xf32, #tpu.memory_space<vmem>>) target(%dma_start3A_40 : memref<64xf32, #tpu.memory_space<hbm>>) target_semaphore(%arg12 : memref<!tpu.dma_semaphore, #tpu.memory_space<semaphore_mem>>)
    %dma_wait3A_41 = arith.constant 0 : i32
    %dma_wait3A_42 = tpu.memref_slice %arg3[%dma_wait3A_41] : memref<100000xf32, #tpu.memory_space<hbm>> -> memref<100000xf32, #tpu.memory_space<hbm>>
    tpu.wait_indirect_dma semaphore(%arg11 : memref<!tpu.dma_semaphore, #tpu.memory_space<semaphore_mem>>) src(%dma_wait3A_42 : memref<100000xf32, #tpu.memory_space<hbm>>) dst(%arg9 : memref<64xf32, #tpu.memory_space<vmem>>)
    %dma_start3A_43 = tpu.memref_slice %arg6[%select_n3A, %mul3A_32] : memref<8x128xf32, #tpu.memory_space<hbm>> -> memref<1x64xf32, #tpu.memory_space<hbm>>
    %dma_start3A_44 = tpu.memref_squeeze %dma_start3A_43 : memref<1x64xf32, #tpu.memory_space<hbm>> -> memref<64xf32, #tpu.memory_space<hbm>>
    %dma_start3A_45 = tpu.memref_slice %arg6[%select_n3A, %mul3A_32] : memref<8x128xf32, #tpu.memory_space<hbm>> -> memref<1x64xf32, #tpu.memory_space<hbm>>
    %dma_start3A_46 = tpu.memref_squeeze %dma_start3A_45 : memref<1x64xf32, #tpu.memory_space<hbm>> -> memref<64xf32, #tpu.memory_space<hbm>>
    tpu.enqueue_dma source(%arg9 : memref<64xf32, #tpu.memory_space<vmem>>) target(%dma_start3A_46 : memref<64xf32, #tpu.memory_space<hbm>>) target_semaphore(%arg13 : memref<!tpu.dma_semaphore, #tpu.memory_space<semaphore_mem>>)
    %dma_wait3A_47 = tpu.memref_slice %arg5[%select_n3A, %mul3A_32] : memref<8x128xf32, #tpu.memory_space<hbm>> -> memref<1x64xf32, #tpu.memory_space<hbm>>
    %dma_wait3A_48 = tpu.memref_squeeze %dma_wait3A_47 : memref<1x64xf32, #tpu.memory_space<hbm>> -> memref<64xf32, #tpu.memory_space<hbm>>
    %dma_wait3A_49 = tpu.memref_slice %arg5[%select_n3A, %mul3A_32] : memref<8x128xf32, #tpu.memory_space<hbm>> -> memref<1x64xf32, #tpu.memory_space<hbm>>
    %dma_wait3A_50 = tpu.memref_squeeze %dma_wait3A_49 : memref<1x64xf32, #tpu.memory_space<hbm>> -> memref<64xf32, #tpu.memory_space<hbm>>
    tpu.wait_dma2 semaphore(%arg12 : memref<!tpu.dma_semaphore, #tpu.memory_space<semaphore_mem>>) src(%arg8 : memref<64xf32, #tpu.memory_space<vmem>>) dst(%dma_wait3A_50 : memref<64xf32, #tpu.memory_space<hbm>>)
    %dma_wait3A_51 = tpu.memref_slice %arg6[%select_n3A, %mul3A_32] : memref<8x128xf32, #tpu.memory_space<hbm>> -> memref<1x64xf32, #tpu.memory_space<hbm>>
    %dma_wait3A_52 = tpu.memref_squeeze %dma_wait3A_51 : memref<1x64xf32, #tpu.memory_space<hbm>> -> memref<64xf32, #tpu.memory_space<hbm>>
    %dma_wait3A_53 = tpu.memref_slice %arg6[%select_n3A, %mul3A_32] : memref<8x128xf32, #tpu.memory_space<hbm>> -> memref<1x64xf32, #tpu.memory_space<hbm>>
    %dma_wait3A_54 = tpu.memref_squeeze %dma_wait3A_53 : memref<1x64xf32, #tpu.memory_space<hbm>> -> memref<64xf32, #tpu.memory_space<hbm>>
    tpu.wait_dma2 semaphore(%arg13 : memref<!tpu.dma_semaphore, #tpu.memory_space<semaphore_mem>>) src(%arg9 : memref<64xf32, #tpu.memory_space<vmem>>) dst(%dma_wait3A_54 : memref<64xf32, #tpu.memory_space<hbm>>)
    return
  }
}

module attributes {stable_mosaic.version = 14 : i64} {
  func.func @_loss_body(%arg0: memref<8x128xf32, #tpu.memory_space<vmem>>, %arg1: memref<8x128xf32, #tpu.memory_space<vmem>>, %arg2: memref<1x1xf32, #tpu.memory_space<smem>>) attributes {dimension_semantics = [], scalar_prefetch = 0 : i64, scratch_operands = 0 : i64, tpu.core_type = #tpu.core_type<tc>} {
    %get3A = arith.constant 0 : index
    %get3A_0 = arith.constant 0 : index
    %get3A_1 = vector.load %arg0[%get3A, %get3A_0] : memref<8x128xf32, #tpu.memory_space<vmem>>, vector<8x128xf32>
    %get3A_2 = arith.constant 0 : index
    %get3A_3 = arith.constant 0 : index
    %get3A_4 = vector.load %arg1[%get3A_2, %get3A_3] : memref<8x128xf32, #tpu.memory_space<vmem>>, vector<8x128xf32>
    %mul3A = arith.mulf %get3A_1, %get3A_4 : vector<8x128xf32>
    %reduce_sum3A = arith.constant dense<0.000000e+00> : vector<8xf32>
    %reduce_sum3A_5 = vector.multi_reduction <add>, %mul3A, %reduce_sum3A [1] : vector<8x128xf32> to vector<8xf32>
    %broadcast_in_dim3A = vector.shape_cast %reduce_sum3A_5 : vector<8xf32> to vector<8x1xf32>
    %sub3A = vector.broadcast %broadcast_in_dim3A : vector<8x1xf32> to vector<8x128xf32>
    %sub3A_6 = arith.subf %get3A_1, %sub3A : vector<8x128xf32>
    %max3A = arith.constant 0.000000e+00 : f32
    %max3A_7 = vector.broadcast %max3A : f32 to vector<8x128xf32>
    %max3A_8 = arith.maximumf %sub3A_6, %max3A_7 : vector<8x128xf32>
    %reduce_sum3A_9 = arith.constant dense<0.000000e+00> : vector<8xf32>
    %reduce_sum3A_10 = vector.multi_reduction <add>, %max3A_8, %reduce_sum3A_9 [1] : vector<8x128xf32> to vector<8xf32>
    %broadcast_in_dim3A_11 = vector.shape_cast %reduce_sum3A_10 : vector<8xf32> to vector<8x1xf32>
    %broadcast_in_dim3A_12 = vector.shape_cast %get3A_1 : vector<8x128xf32> to vector<8x128x1xf32>
    %broadcast_in_dim3A_13 = vector.shape_cast %get3A_1 : vector<8x128xf32> to vector<8x1x128xf32>
    %iota3A = tpu.iota {dimensions = array<i32: 1>} : vector<8x128x128xi32>
    %iota3A_14 = tpu.iota {dimensions = array<i32: 2>} : vector<8x128x128xi32>
    %lt3A = vector.broadcast %broadcast_in_dim3A_13 : vector<8x1x128xf32> to vector<8x128x128xf32>
    %lt3A_15 = vector.broadcast %broadcast_in_dim3A_12 : vector<8x128x1xf32> to vector<8x128x128xf32>
    %lt3A_16 = arith.cmpf olt, %lt3A, %lt3A_15 : vector<8x128x128xf32>
    %eq3A = vector.broadcast %broadcast_in_dim3A_13 : vector<8x1x128xf32> to vector<8x128x128xf32>
    %eq3A_17 = vector.broadcast %broadcast_in_dim3A_12 : vector<8x128x1xf32> to vector<8x128x128xf32>
    %eq3A_18 = arith.cmpf oeq, %eq3A, %eq3A_17 : vector<8x128x128xf32>
    %lt3A_19 = arith.cmpi slt, %iota3A_14, %iota3A : vector<8x128x128xi32>
    %and3A = arith.andi %eq3A_18, %lt3A_19 : vector<8x128x128xi1>
    %or3A = arith.ori %lt3A_16, %and3A : vector<8x128x128xi1>
    %convert_element_type3A = arith.extui %or3A : vector<8x128x128xi1> to vector<8x128x128xi32>
    %convert_element_type3A_20 = arith.sitofp %convert_element_type3A : vector<8x128x128xi32> to vector<8x128x128xf32>
    %reduce_sum3A_21 = arith.constant dense<0.000000e+00> : vector<8x128xf32>
    %reduce_sum3A_22 = vector.multi_reduction <add>, %convert_element_type3A_20, %reduce_sum3A_21 [2] : vector<8x128x128xf32> to vector<8x128xf32>
    %sub3A_23 = vector.broadcast %broadcast_in_dim3A_13 : vector<8x1x128xf32> to vector<8x128x128xf32>
    %sub3A_24 = vector.broadcast %broadcast_in_dim3A_12 : vector<8x128x1xf32> to vector<8x128x128xf32>
    %sub3A_25 = arith.subf %sub3A_23, %sub3A_24 : vector<8x128x128xf32>
    %max3A_26 = arith.constant 0.000000e+00 : f32
    %max3A_27 = vector.broadcast %max3A_26 : f32 to vector<8x128x128xf32>
    %max3A_28 = arith.maximumf %sub3A_25, %max3A_27 : vector<8x128x128xf32>
    %reduce_sum3A_29 = arith.constant dense<0.000000e+00> : vector<8x128xf32>
    %reduce_sum3A_30 = vector.multi_reduction <add>, %max3A_28, %reduce_sum3A_29 [2] : vector<8x128x128xf32> to vector<8x128xf32>
    %lt3A_31 = arith.constant 1.500000e+01 : f32
    %lt3A_32 = vector.broadcast %lt3A_31 : f32 to vector<8x128xf32>
    %lt3A_33 = arith.cmpf olt, %reduce_sum3A_22, %lt3A_32 : vector<8x128xf32>
    %lt3A_34 = arith.constant 0.000000e+00 : f32
    %lt3A_35 = vector.broadcast %lt3A_34 : f32 to vector<8x1xf32>
    %lt3A_36 = arith.cmpf olt, %broadcast_in_dim3A_11, %lt3A_35 : vector<8x1xf32>
    %ceil3A = math.ceil %broadcast_in_dim3A_11 : vector<8x1xf32>
    %floor3A = math.floor %broadcast_in_dim3A_11 : vector<8x1xf32>
    %select_n3A = arith.select %lt3A_36, %ceil3A, %floor3A : vector<8x1xi1>, vector<8x1xf32>
    %lt3A_37 = arith.constant 0.000000e+00 : f32
    %lt3A_38 = vector.broadcast %lt3A_37 : f32 to vector<8x128xf32>
    %lt3A_39 = arith.cmpf olt, %reduce_sum3A_30, %lt3A_38 : vector<8x128xf32>
    %ceil3A_40 = math.ceil %reduce_sum3A_30 : vector<8x128xf32>
    %floor3A_41 = math.floor %reduce_sum3A_30 : vector<8x128xf32>
    %select_n3A_42 = arith.select %lt3A_39, %ceil3A_40, %floor3A_41 : vector<8x128xi1>, vector<8x128xf32>
    %broadcast_in_dim3A_43 = vector.shape_cast %select_n3A : vector<8x1xf32> to vector<8x1xf32>
    %broadcast_in_dim3A_44 = vector.broadcast %broadcast_in_dim3A_43 : vector<8x1xf32> to vector<8x128xf32>
    %select_n3A_45 = arith.select %lt3A_33, %broadcast_in_dim3A_44, %select_n3A_42 : vector<8x128xi1>, vector<8x128xf32>
    %broadcast_in_dim3A_46 = vector.shape_cast %reduce_sum3A_22 : vector<8x128xf32> to vector<8x1x128xf32>
    %sub3A_47 = arith.constant 1.280000e+02 : f32
    %sub3A_48 = arith.constant 1.000000e+00 : f32
    %sub3A_49 = arith.subf %sub3A_47, %sub3A_48 : f32
    %sub3A_50 = vector.broadcast %sub3A_49 : f32 to vector<8x1x128xf32>
    %sub3A_51 = arith.subf %sub3A_50, %broadcast_in_dim3A_46 : vector<8x1x128xf32>
    %sub3A_52 = arith.constant 1.280000e+02 : f32
    %sub3A_53 = vector.broadcast %sub3A_52 : f32 to vector<8x1x128xf32>
    %sub3A_54 = arith.subf %sub3A_53, %broadcast_in_dim3A_46 : vector<8x1x128xf32>
    %mul3A_55 = arith.mulf %sub3A_51, %sub3A_54 : vector<8x1x128xf32>
    %broadcast_in_dim3A_56 = vector.shape_cast %select_n3A_45 : vector<8x128xf32> to vector<8x128x1xf32>
    %broadcast_in_dim3A_57 = vector.shape_cast %reduce_sum3A_30 : vector<8x128xf32> to vector<8x1x128xf32>
    %sub3A_58 = vector.broadcast %broadcast_in_dim3A_56 : vector<8x128x1xf32> to vector<8x128x128xf32>
    %sub3A_59 = vector.broadcast %broadcast_in_dim3A_57 : vector<8x1x128xf32> to vector<8x128x128xf32>
    %sub3A_60 = arith.subf %sub3A_58, %sub3A_59 : vector<8x128x128xf32>
    %exp3A = math.exp %sub3A_60 : vector<8x128x128xf32>
    %div3A = vector.broadcast %mul3A_55 : vector<8x1x128xf32> to vector<8x128x128xf32>
    %div3A_61 = arith.divf %exp3A, %div3A : vector<8x128x128xf32>
    %jit3A = arith.constant 0.000000e+00 : f32
    %broadcast_in_dim3A_62 = vector.broadcast %jit3A : f32 to vector<8x128x128xf32>
    %select_n3A_63 = arith.select %or3A, %div3A_61, %broadcast_in_dim3A_62 : vector<8x128x128xi1>, vector<8x128x128xf32>
    %reduce_sum3A_64 = arith.constant dense<0.000000e+00> : vector<8x128xf32>
    %reduce_sum3A_65 = vector.multi_reduction <add>, %select_n3A_63, %reduce_sum3A_64 [2] : vector<8x128x128xf32> to vector<8x128xf32>
    %sub3A_66 = vector.broadcast %broadcast_in_dim3A_11 : vector<8x1xf32> to vector<8x128xf32>
    %sub3A_67 = arith.subf %select_n3A_45, %sub3A_66 : vector<8x128xf32>
    %exp3A_68 = math.exp %sub3A_67 : vector<8x128xf32>
    %sub3A_69 = arith.constant 1.280000e+02 : f32
    %sub3A_70 = vector.broadcast %sub3A_69 : f32 to vector<8x128xf32>
    %sub3A_71 = arith.subf %sub3A_70, %reduce_sum3A_22 : vector<8x128xf32>
    %div3A_72 = arith.divf %exp3A_68, %sub3A_71 : vector<8x128xf32>
    %sub3A_73 = arith.subf %div3A_72, %reduce_sum3A_65 : vector<8x128xf32>
    %log3A = math.log %sub3A_73 : vector<8x128xf32>
    %sub3A_74 = arith.subf %log3A, %select_n3A_45 : vector<8x128xf32>
    %ne3A = arith.constant 0.000000e+00 : f32
    %ne3A_75 = vector.broadcast %ne3A : f32 to vector<8x128xf32>
    %ne3A_76 = arith.cmpf one, %get3A_4, %ne3A_75 : vector<8x128xf32>
    %jit3A_77 = arith.constant 0.000000e+00 : f32
    %broadcast_in_dim3A_78 = vector.broadcast %jit3A_77 : f32 to vector<8x128xf32>
    %select_n3A_79 = arith.select %ne3A_76, %sub3A_74, %broadcast_in_dim3A_78 : vector<8x128xi1>, vector<8x128xf32>
    %reduce_sum3A_80 = vector.shape_cast %select_n3A_79 : vector<8x128xf32> to vector<1x8x128xf32>
    %reduce_sum3A_81 = arith.constant dense<0.000000e+00> : vector<1xf32>
    %reduce_sum3A_82 = vector.multi_reduction <add>, %reduce_sum3A_80, %reduce_sum3A_81 [1, 2] : vector<1x8x128xf32> to vector<1xf32>
    %reduce_sum3A_83 = vector.shape_cast %reduce_sum3A_82 : vector<1xf32> to vector<1x1x1xf32>
    %reduce_sum3A_84 = vector.extract %reduce_sum3A_83[0, 0, 0] : f32 from vector<1x1x1xf32>
    %neg3A = arith.constant 0.000000e+00 : f32
    %neg3A_85 = arith.subf %neg3A, %reduce_sum3A_84 : f32
    %div3A_86 = arith.constant 8.000000e+00 : f32
    %div3A_87 = arith.divf %neg3A_85, %div3A_86 : f32
    %swap3A = arith.constant 0 : index
    %swap3A_88 = arith.constant 0 : index
    %swap3A_89 = memref.load %arg2[%swap3A, %swap3A_88] : memref<1x1xf32, #tpu.memory_space<smem>>
    memref.store %div3A_87, %arg2[%swap3A, %swap3A_88] : memref<1x1xf32, #tpu.memory_space<smem>>
    return
  }
}

</mosaic_0001>

<sc_bundles>
// kernel: kernel.4.cloned.1.call-start
scs
__scs_entry_jumppad:
0x0: {  	(pc) =	sbr.rel $0x88, $3  }
0x1: {  	(tag) =	ssettag $0x0;
	lr =	simm.s32 $0x1  }
0x2: {  	[smem:$0x3F9E] =	sst lr;
	_ =	strace $0xD0000000  }
0x3: {  	_ = 	snop  }
0x4: {  	_ = 	snop  }
0x5: {  	_ = 	snop  }
0x6: {  	_ = 	snop  }
0x7: {  	_ = 	snop  }
__scs_overlays_trampoline_lowered:
0x8: {  	[smem:$0x3FAD] =	sst s0  }
0x9: {  	[smem:$0x3FAE] =	sst s1  }
0xa: {  	[smem:$0x3FAF] =	sst s2  }
0xb: {  	[smem:$0x3FB0] =	sst s3  }
0xc: {  	[smem:$0x3FB1] =	sst s4  }
0xd: {  	[smem:$0x3FB2] =	sst s5  }
0xe: {  	[smem:$0x3FB3] =	sst s6  }
0xf: {  	[smem:$0x3FB4] =	sst s7  }
0x10: {  	[smem:$0x3FB5] =	sst s8  }
0x11: {  	[smem:$0x3FB6] =	sst s9;
	s0 =	simm.s32 @!p0 $0x0  }
0x12: {  	s1 =	sld [smem:$0x3F9C];
	s0 =	simm.s32 @p0 $0x1  }
0x13: {  	[smem:$0x3FB7] =	sst s0;
	s0 =	simm.s32 @!p1 $0x0  }
0x14: {  	s2 =	sld [smem:$0x3F9B];
	s0 =	simm.s32 @p1 $0x1  }
0x15: {  	[smem:$0x3FB8] =	sst s0;
	s0 =	simm.s32 @!p2 $0x0  }
0x16: {  	s3 =	sld [smem:$0x3FDB];
	s0 =	simm.s32 @p2 $0x1  }
0x17: {  	s4 =	simm.s32 $0x1BF5;
	[smem:$0x3FBA] =	sst s0  }
0x18: {  	s0 =	sld [smem:$0x3F9D];
	_ =	swait.ge [sflag:s4], $0x0  }
0x19: {  	s7 =	sld [smem:$0x3F9E]  }
0x1a: {  	s8 =	sadd.s32 $0xFFFFE003, lr  }
0x1b: {  	s9 =	sadd.s32 $0xFFFFFEF7, lr;
	s5 =	simm.s32 $0xFFFFFFFF;
	p2 =	slt.u32 s8, $0xFFFFF086  }
0x1c: {  	p1 =	slt.u32 s9, $0xF7A;
	s5 =	simm.s32 @!p2 $0x0  }
0x1d: {  	s5 =	simm.s32 @p1 $0x1;
	p0 =	seq.s32 s7, s2  }
0x1e: {  	s7 =	smul.u32 @!p0 $0xF7A, s2;
	p2 =	seq.s32 @!p0 s5, $0x0  }
0x1f: {  	s9 =	smul.u32 $0xF7A, s1;
	s8 =	simm.s32 @!p0 $0x1BF5;
	p2 =	por !p2, p0  }
0x20: {  	[sflag:s8] =	ssyncset.s32 @!p0 $0xFFFFF086;
	s6 =	sadd.s32 @!p0 s3, s7;
	s7 =	simm.s32 @!p0 $0x108  }
0x21: {  	s3 =	sadd.s32 s3, s9;
	s6 =	sadd.s32 @!p0 $0x88, s6;
	s7 =	simm.s32 @p2 $0x1082  }
0x22: {  	[simem:s7], [sflag:s8] =	dma.local @!p0 [hbm:s6], $0xF7A  }
0x23: {  	s9 =	sor.u32 $0xD0000000, s2;
	s6 =	simm.s32 $0x108;
	_ =	swait.ge @!p0 [sflag:s8], $0x0  }
0x24: {  	s3 =	sadd.s32 $0x88, s3;
	s6 =	simm.s32 @!p1 $0x1082;
	[sflag:s4] =	ssyncset.s32 $0xFFFFF086  }
0x25: {  	[simem:s6], [sflag:s4] =	dma.local [hbm:s3], $0xF7A  }
0x26: {  	[smem:$0x3F9E] =	sst s1;
	(tag) =	ssettag s2;
	_ =	strace s9  }
0x27: {  	s1 =	sld [smem:$0x3FAE]  }
0x28: {  	s2 =	sld [smem:$0x3FAF]  }
0x29: {  	s4 =	sld [smem:$0x3FB1]  }
0x2a: {  	p0 =	seq.s32 s5, $0x0;
	s5 =	sld [smem:$0x3FB2]  }
0x2b: {  	s6 =	sld [smem:$0x3FB3]  }
0x2c: {  	s7 =	sld [smem:$0x3FB4]  }
0x2d: {  	s3 =	simm.s32 $0x108;
	s8 =	sld [smem:$0x3FB5]  }
0x2e: {  	s3 =	simm.s32 @!p0 $0x1082;
	s9 =	sld [smem:$0x3FB6]  }
0x2f: {  	lr =	sadd.s32 s0, s3;
	s0 =	sld [smem:$0x3FAD]  }
0x30: {  	s3 =	sld [smem:$0x3FB0]  }
0x31: {  	[smem:$0x3FB9] =	sst s10  }
0x32: {  	s10 =	sld [smem:$0x3FB7];
	_ =	sdelay $0x3  }
0x33: {  	p0 =	seq.s32 s10, $0x1;
	s10 =	sld [smem:$0x3FB9];
	_ =	sdelay $0x3  }
0x34: {  	[smem:$0x3FB9] =	sst s10  }
0x35: {  	s10 =	sld [smem:$0x3FB8];
	_ =	sdelay $0x3  }
0x36: {  	p1 =	seq.s32 s10, $0x1;
	s10 =	sld [smem:$0x3FB9];
	_ =	sdelay $0x3  }
0x37: {  	[smem:$0x3FB9] =	sst s10  }
0x38: {  	s10 =	sld [smem:$0x3FBA]  }
0x39: {  	_ = 	snop;
	(pc) =	sbr.ind lr, $3  }
0x3a: {  	_ = 	snop  }
0x3b: {  	_ = 	snop  }
0x3c: {  	p2 =	seq.s32 s10, $0x1;
	s10 =	sld [smem:$0x3FB9]  }
0x3d: {  	_ =	shalt  }
0x3e: {  	_ =	shalt  }
0x3f: {  	_ =	shalt  }
0x40: {  	_ =	shalt  }
0x41: {  	_ =	shalt  }
0x42: {  	_ =	shalt  }
0x43: {  	_ =	shalt  }
0x44: {  	_ =	shalt  }
0x45: {  	_ =	shalt  }
0x46: {  	_ =	shalt  }
0x47: {  	_ =	shalt  }
0x48: {  	_ =	shalt  }
0x49: {  	_ =	shalt  }
0x4a: {  	_ =	shalt  }
0x4b: {  	_ =	shalt  }
0x4c: {  	_ =	shalt  }
0x4d: {  	_ =	shalt  }
0x4e: {  	_ =	shalt  }
0x4f: {  	_ =	shalt  }
0x50: {  	_ =	shalt  }
0x51: {  	_ =	shalt  }
0x52: {  	_ =	shalt  }
0x53: {  	_ =	shalt  }
0x54: {  	_ =	shalt  }
0x55: {  	_ =	shalt  }
0x56: {  	_ =	shalt  }
0x57: {  	_ =	shalt  }
0x58: {  	_ =	shalt  }
0x59: {  	_ =	shalt  }
0x5a: {  	_ =	shalt  }
0x5b: {  	_ =	shalt  }
0x5c: {  	_ =	shalt  }
0x5d: {  	_ =	shalt  }
0x5e: {  	_ =	shalt  }
0x5f: {  	_ =	shalt  }
0x60: {  	_ =	shalt  }
0x61: {  	_ =	shalt  }
0x62: {  	_ =	shalt  }
0x63: {  	_ =	shalt  }
0x64: {  	_ =	shalt  }
0x65: {  	_ =	shalt  }
0x66: {  	_ =	shalt  }
0x67: {  	_ =	shalt  }
0x68: {  	_ =	shalt  }
0x69: {  	_ =	shalt  }
0x6a: {  	_ =	shalt  }
0x6b: {  	_ =	shalt  }
0x6c: {  	_ =	shalt  }
0x6d: {  	_ =	shalt  }
0x6e: {  	_ =	shalt  }
0x6f: {  	_ =	shalt  }
0x70: {  	_ =	shalt  }
0x71: {  	_ =	shalt  }
0x72: {  	_ =	shalt  }
0x73: {  	_ =	shalt  }
0x74: {  	_ =	shalt  }
0x75: {  	_ =	shalt  }
0x76: {  	_ =	shalt  }
0x77: {  	_ =	shalt  }
0x78: {  	_ =	shalt  }
0x79: {  	_ =	shalt  }
0x7a: {  	_ =	shalt  }
0x7b: {  	_ =	shalt  }
0x7c: {  	_ =	shalt  }
0x7d: {  	_ =	shalt  }
0x7e: {  	_ =	shalt  }
0x7f: {  	_ =	shalt  }
0x80: {  	_ =	shalt  }
0x81: {  	_ =	shalt  }
0x82: {  	_ =	shalt  }
0x83: {  	_ =	shalt  }
0x84: {  	_ =	shalt  }
0x85: {  	_ =	shalt  }
0x86: {  	_ =	shalt  }
0x87: {  	_ =	shalt  }
.Lfunc_end0:
.L_simem_size_0:
called_computation_lowered:
.L_overlay_start_0:
0x88: {  	s0 =	sld [smem:$0x3FD9]  }
0x89: {  	s1 =	sld [smem:$0x3FFE];
	_ =	sdelay $0x3  }
0x8a: {  	s0 =	sadd.s32 s1, s0  }
0x8b: {  	[smem:$0x3FC5] =	sst s0  }
0x8c: {  	_ = 	snop  }
0x8d: {  	s0 =	sld [smem:$0x3FC9]  }
0x8e: {  	s16 =	sld [smem:$0x3FC8]  }
0x8f: {  	s2 =	sld [smem:$0x3FC7];
	(tm) =	ssettm $0x1  }
0x90: {  	s3 =	sld [smem:$0x3FFB];
	_ =	sdelay $0x3  }
0x91: {  	_ =	strace s3  }
0x92: {  	s3 =	sld [smem:$0x3FFC];
	_ =	sdelay $0x3  }
0x93: {  	_ =	strace s3  }
0x94: {  	s3 =	sld [smem:$0x3FFD];
	_ =	sdelay $0x3  }
0x95: {  	_ =	strace s3  }
0x96: {  	_ =	strace $0x8FFFFFFF  }
0x97: {  	s17 =	sld [smem:$0x3FDB];
	_ =	sdelay $0x1  }
0x98: {  	s4 =	simm.s32 $_scs_section_size  }
0x99: {  	s5 =	simm.s32 $_size__tile_overlayer_lowered;
	s6 =	simm.s32 $_tile_overlayer_lowered  }
0x9a: {  	s20 =	simm.s32 $0x1BFF;
	s19 =	sshll.u32 s6, $0x1;
	s3 =	sadd.s32 s4, s17  }
0x9b: {  	s7 =	simm.s32 $0x0;
	s18 =	sshll.u32 s5, $0x1;
	s5 =	sadd.s32 s19, s3  }
0x9c: {  	[timem:s7], [sflag:s20] =	dma.local [hbm:s5], s18  }
0x9d: {  	_ =	swait.ge [sflag:s20], s18  }
0x9e: {  	s4 =	ssub.s32 $0x0, s18;
	[sflag:s20] =	ssyncset.done $0x0  }
0x9f: {  	[sflag:s20] =	ssyncadd.s32 s4;
	_ =	sdelay $0x1  }
0xa0: {  	s21 =	simm.s32 $0x1B8B  }
0xa1: {  	_ =	swait.ge [sflag:s21], $0x1  }
0xa2: {  	[sflag:s21] =	ssyncset.done $0x0  }
0xa3: {  	s23 =	simm.s32 $0x1B8E;
	s22 =	sld [smem:$0x3FFE];
	[sflag:s21] =	ssyncadd.s32 $0xFFFFFFFF  }
0xa4: {  	s24 =	simm.s32 $execute0_lowered;
	[smem:$0x3FD2] =	sst s23  }
0xa5: {  	s5 =	sshll.u32 s24, $0x1;
	_ =	strace $0x80000046;
	[dreg:$0x1] =	wrdreg $0xFFFFFFFF  }
0xa6: {  	s25 =	simm.s32 $_size_execute0_lowered;
	s3 =	sadd.s32 s3, s5;
	[dreg:$0x0] =	wrdreg $0x0  }
0xa7: {  	s5 =	sshll.u32 s25, $0x1;
	[dreg:$0x2] =	wrdreg s3  }
0xa8: {  	[dreg:$0x3] =	wrdreg s5  }
0xa9: {  	[dreg:$0x4] =	wrdreg $0xC0  }
0xaa: {  	_ =	task [dreg:s7], $0x5FFFF  }
0xab: {  	[dreg:$0x1] =	wrdreg $0xFFFFFFFF  }
0xac: {  	[dreg:$0x0] =	wrdreg $0x60  }
0xad: {  	[dreg:$0x2] =	wrdreg s0  }
0xae: {  	[dreg:$0x3] =	wrdreg s16  }
0xaf: {  	[dreg:$0x4] =	wrdreg s2  }
0xb0: {  	[dreg:$0x5] =	wrdreg s22  }
0xb1: {  	[dreg:$0x6] =	wrdreg $0x9  }
0xb2: {  	_ =	task.clear_ibuf [dreg:s7], $0x7FFFF;
	_ =	strace $0x90000046  }
0xb3: {  	s26 =	simm.s32 $0x9;
	_ =	strace $0x80000048  }
0xb4: {  	_ =	swait.ge [sflag:s26], $0x1  }
0xb5: {  	[sflag:s26] =	ssyncadd.s32 $0xFFFFFFFF  }
0xb6: {  	_ =	strace $0x90000048  }
0xb7: {  	_ =	sfence  }
0xb8: {  	s28 =	sld [smem:$0x0];
	_ =	sdelay $0x1  }
0xb9: {  	s29 =	srdreg.scid  }
0xba: {  	s30 =	sshll.u32 s29, $0xD;
	s31 =	sshrl.u32 s29, $0x2  }
0xbb: {  	s1 =	sand.u32 $0x1, s29;
	s2 =	sand.u32 $0x4000, s30;
	s0 =	sadd.s32 s31, s28  }
0xbc: {  	s1 =	sor.u32 s2, s1;
	s0 =	sshll.u32 s0, $0x11  }
0xbd: {  	s0 =	sor.u32 s0, s1  }
0xbe: {  	s0 =	sadd.s32 $0x8F2B, s0  }
0xbf: {  	[sflag:s0] =	ssyncadd.remote.s32 $0x1  }
0xc0: {  	_ =	sfence.sel $0xFFFF  }
0xc1: {  	[dreg:$0x0] =	wrdreg $0xFFFFFFFF;
	(pc) =	sbr.abs _section_cstart, $3  }
0xc2: {  	[dreg:$0x1] =	wrdreg $0xFFFFFFFF  }
0xc3: {  	_ =	task.clear_ibuf [dreg:s7], $0x2FFFF;
	_ =	strace $0x9FFFFFFF  }
0xc4: {  	(tm) =	ssettm $0x7FFFFFFF  }
0xc5: {  	_ =	shalt  }
tec
execute0_lowered:
.L_overlay_start_1:
0x0: {  	(tag) =	ssettag $0x1  }
0x1: {  	s0 =	rddreg [dreg:$0x0]  }
0x2: {  	s1 =	rddreg [dreg:$0x1]  }
0x3: {  	s2 =	rddreg [dreg:$0x2]  }
0x4: {  	s3 =	rddreg [dreg:$0x3]  }
0x5: {  	s4 =	rddreg [dreg:$0x4];
	s5 =	simm.s32 $0x0;
	s6 =	stileid.u32  }
0x6: {  	[smem:$0x7FF] =	sst s5;
	s7 =	sshll.u32 s6, $0x3  }
0x7: {  	s23 =	simm.s32 $0x5;
	_ =	strace $0x80000047;
	s2 =	sadd.s32 s2, s7  }
0x8: {  	[tilespmem:s5], [sflag:$0x5] =	stream.linear.gather [hbm4b:s2+s5], $0x40, $0x38;
	[tilespmem:$0x180] =	vst v63  }
0x9: {  	_ =	swait.ge [sflag:s23], $0x40  }
0xa: {  	[sflag:s23] =	ssyncset.done $0x0  }
0xb: {  	s24 =	simm.s32 $0x40;
	s8 =	simm.s32 $0x80;
	[sflag:s23] =	ssyncadd.s32 $0xFFFFFFC0  }
0xc: {  	[tilespmem:s8], [sflag:$0x1] =	stream.indirect.gather [hbm4b:s0+s24], $0x1, s5, s24, $0xb8;
	[tilespmem:$0x180] =	vst v63  }
0xd: {  	s25 =	simm.s32 $0x100;
	s26 =	simm.s32 $0x1  }
0xe: {  	[tilespmem:s25], [sflag:$0x2] =	stream.indirect.gather [hbm4b:s1+s24], $0x1, s5, s24, $0xb8;
	[tilespmem:$0x180] =	vst v63  }
0xf: {  	_ =	swait.ge [sflag:s26], $0x40  }
0x10: {  	s28 =	sadd.s32 s7, s3;
	[sflag:s26] =	ssyncset.done $0x0  }
0x11: {  	s29 =	simm.s32 $0x2;
	s3 =	sadd.s32 $0xC00, s28;
	[sflag:s26] =	ssyncadd.s32 $0xFFFFFFC0  }
0x12: {  	[hbm4b:s3+s5] =	stream.linear.scatter [tilespmem:s8], [sflag:$0x3], $0x40, $0x38;
	[tilespmem:$0x180] =	vst v63  }
0x13: {  	_ =	swait.ge [sflag:s29], $0x40  }
0x14: {  	[sflag:s29] =	ssyncset.done $0x0  }
0x15: {  	s30 =	simm.s32 $0x3;
	s2 =	sadd.s32 $0xE00, s28;
	[sflag:s29] =	ssyncadd.s32 $0xFFFFFFC0  }
0x16: {  	[hbm4b:s2+s5] =	stream.linear.scatter [tilespmem:s25], [sflag:$0x4], $0x40, $0x38;
	[tilespmem:$0x180] =	vst v63  }
0x17: {  	_ =	swait.ge [sflag:s30], $0x40  }
0x18: {  	[sflag:s30] =	ssyncset.done $0x0  }
0x19: {  	s31 =	simm.s32 $0x4;
	[sflag:s30] =	ssyncadd.s32 $0xFFFFFFC0  }
0x1a: {  	_ =	swait.ge [sflag:s31], $0x40  }
0x1b: {  	[sflag:s31] =	ssyncset.done $0x0  }
0x1c: {  	[sflag:s31] =	ssyncadd.s32 $0xFFFFFFC0  }
0x1d: {  	_ =	sfence.sel $0x180000  }
0x1e: {  	[bflag:$0x0] =	sbarrier.arrive $0xFFFF  }
0x1f: {  	p0 =	sne.s32 s6, $0x0;
	_ =	strace $0x90000047  }
0x20: {  	s0 =	sadd.s32 @!p0 $0x100000, s4;
	[bflag:$0x2] =	sbarrier.arrive $0xFFFF  }
0x21: {  	[sflag:s0] =	ssyncadd.tile.s32 @!p0 $0x1;
	_ =	shalt  }
.Lfunc_end2:
_tile_overlayer_lowered:
.L_overlay_start_2:
0x22: {  	(tag) =	ssettag $0x2  }
0x23: {  	s0 =	rddreg [dreg:$0x0];
	s2 =	stileid.u32  }
0x24: {  	s1 =	rddreg [dreg:$0x1];
	p0 =	sne.s32 s2, $0x0  }
0x25: {  	s3 =	rddreg [dreg:$0x2];
	[bflag:$0x3] =	sbarrier.arrive $0xFFFF;
	s2 =	simm.s32 @!p0 $0x1C05  }
0x26: {  	[timem:s3], [sflag:s2] =	dma.local @!p0 [hbm:s0], s1  }
0x27: {  	s0 =	simm.s32 @!p0 $0x5  }
0x28: {  	_ =	swait.ge @!p0 [sflag:s0], s1  }
0x29: {  	s1 =	ssub.s32 @!p0 $0x0, s1;
	[sflag:s0] =	ssyncset.done @!p0 $0x0  }
0x2a: {  	[sflag:s0] =	ssyncadd.s32 @!p0 s1  }
0x2b: {  	[bflag:$0x3] =	sbarrier.arrive $0xFFFF  }
0x2c: {  	_ =	shalt  }

</sc_bundles>
